<compile_context>
chip_gen: v7x
topology: tpu7x:2x2x1
jax: 0.10.2.dev20260603
libtpu: 0.0.44.dev20260713+nightly
codegen_flags: <defaults>
</compile_context>

<pallas_src>
import functools

import jax
import jax.numpy as jnp
from jax import lax
from jax.experimental import pallas as pl
from jax.experimental.pallas import tpu as pltpu
from jax.experimental.pallas import tpu_sc as plsc

_N_NEWTON = 4
_N_SECANT = 2
_L = 16


def _bcast_last(v):
    idx = jnp.full((_L, 1), _L - 1, jnp.int32)
    dnums = lax.GatherDimensionNumbers(
        offset_dims=(), collapsed_slice_dims=(0,), start_index_map=(0,))
    return lax.gather(v, idx, dnums, (1,),
                      mode=lax.GatherScatterMode.PROMISE_IN_BOUNDS)


def _lane_sum(v):
    return _bcast_last(plsc.cumsum(v))


def _lane_max(v):
    return _bcast_last(plsc.cummax(v))


def _make_sc_project(rows, n):
    nslices = n // _L
    info = plsc.get_sparse_core_info()
    nw = info.num_cores * info.num_subcores
    rows_per_w = rows // nw
    mesh = plsc.VectorSubcoreMesh(core_axis_name="c", subcore_axis_name="s")

    @functools.partial(
        pl.kernel,
        mesh=mesh,
        out_type=jax.ShapeDtypeStruct((rows, n), jnp.float32),
        scratch_types=[
            pltpu.VMEM((n,), jnp.float32),
            pltpu.VMEM((n,), jnp.float32),
        ],
        compiler_params=pltpu.CompilerParams(needs_layout_passes=False),
    )
    def sc_project(x_hbm, o_hbm, row_v, out_v):
        wid = lax.axis_index("s") * info.num_cores + lax.axis_index("c")
        base = wid * rows_per_w

        def row_body(r, carry):
            pltpu.sync_copy(x_hbm.at[base + r], row_v)

            def max_body(i, acc):
                return jnp.maximum(acc, row_v[pl.ds(i * _L, _L)])

            acc_m = lax.fori_loop(
                0, nslices, max_body,
                jnp.full((_L,), -jnp.inf, jnp.float32))
            theta = _lane_max(acc_m) - 1.0

            prev_t = theta
            prev_f = jnp.zeros((_L,), jnp.float32)
            for _ in range(_N_NEWTON):
                def newton_body(i, carry2):
                    acc_s, acc_k = carry2
                    xc = row_v[pl.ds(i * _L, _L)]
                    mf = jnp.where(xc > theta, 1.0, 0.0).astype(jnp.float32)
                    return acc_s + xc * mf, acc_k + mf

                acc_s, acc_k = lax.fori_loop(
                    0, nslices, newton_body,
                    (jnp.zeros((_L,), jnp.float32),
                     jnp.zeros((_L,), jnp.float32)))
                s = _lane_sum(acc_s)
                k = _lane_sum(acc_k)
                prev_t = theta
                prev_f = s - k * theta - 1.0
                theta = (s - 1.0) / jnp.maximum(k, 1.0)

            for _ in range(_N_SECANT):
                def sec_body(i, acc):
                    xc = row_v[pl.ds(i * _L, _L)]
                    return acc + jnp.maximum(xc - theta, 0.0)

                acc_f = lax.fori_loop(
                    0, nslices, sec_body, jnp.zeros((_L,), jnp.float32))
                f = _lane_sum(acc_f) - 1.0
                denom = prev_f - f
                step = jnp.where(
                    denom > 0.0,
                    f * (theta - prev_t)
                    / jnp.where(denom == 0.0, 1.0, denom),
                    0.0,
                )
                prev_t = theta
                prev_f = f
                theta = theta + jnp.maximum(step, 0.0)

            def out_body(i, c2):
                xc = row_v[pl.ds(i * _L, _L)]
                out_v[pl.ds(i * _L, _L)] = jnp.maximum(xc - theta, 0.0)
                return c2

            lax.fori_loop(0, nslices, out_body, 0)
            pltpu.sync_copy(out_v, o_hbm.at[base + r])
            return carry

        lax.fori_loop(0, rows_per_w, row_body, 0)

    return sc_project


@jax.jit
def _sc_project_full(x):
    rows, n = x.shape
    return _make_sc_project(rows, n)(x)


def kernel(x):
    return _sc_project_full(x)

# --- scband reference (transcript-rebuilt; emitter-appended) ---
"""Pipeline reference for scband-simplex-projection-layer-4861902979120 (READ-ONLY COPY).

The authoritative reference and input builder live on the scoring server;
editing this copy changes nothing except your own understanding.
"""

import jax, jax.numpy as jnp
import numpy as np


def project_onto_simplex(v):
    shape = v.shape
    n = shape[-1]
    u = v.reshape(-1, n)
    u_sorted = jnp.sort(u, axis=-1)[:, ::-1]  # descending
    cssv = jnp.cumsum(u_sorted, axis=-1)
    ar = jnp.arange(1, n + 1, dtype=v.dtype)[None, :]
    rho_candidates = u_sorted - (cssv - 1.0) / ar
    rho = jnp.sum(rho_candidates > 0, axis=-1) - 1
    rho = jnp.clip(rho, 0, None)
    theta = (jnp.take_along_axis(cssv, rho[:, None], axis=1) - 1.0) / (rho + 1).astype(jnp.float32)[:, None]
    projected = jnp.clip(u - theta, 0.0, None)
    row_sums = jnp.clip(jnp.sum(projected, axis=-1, keepdims=True), 1e-09, None)
    projected = projected / row_sums
    return projected.reshape(shape)


def setup_inputs(seed: int = 0) -> dict:
    key = jax.random.key(seed)
    x = jax.random.normal(key, (4096, 8192), dtype=jnp.float32)
    return {"x": x}


def reference(x):
    return project_onto_simplex(x)

if __name__ == "__main__":
    import jax
    _d = setup_inputs()
    print(jax.jit(kernel)(*tuple(_d.values())))

</pallas_src>

<mosaic_0001>
#map = affine_map<(d0, d1) -> (0, 0)>
module attributes {stable_mosaic.version = 14 : i64} {
  func.func @sc_project(%arg0: i32, %arg1: i32, %arg2: memref<4096x8192xf32, #tpu.memory_space<hbm>>, %arg3: memref<4096x8192xf32, #tpu.memory_space<hbm>>, %arg4: memref<8192xf32, #tpu.memory_space<vmem>>, %arg5: memref<8192xf32, #tpu.memory_space<vmem>>) attributes {dimension_semantics = [#tpu.dimension_semantics<core_parallel>, #tpu.dimension_semantics<subcore_parallel>], iteration_bounds = array<i64: 2, 16>, scalar_prefetch = 0 : i64, scratch_operands = 2 : i64, tpu.core_type = #tpu.core_type<sc_vector_subcore>, window_params = [{transform_indices = #map}, {transform_indices = #map}]} {
    %mul3A = arith.constant 2 : i32
    %mul3A_0 = arith.muli %arg1, %mul3A : i32
    %add3A = arith.addi %mul3A_0, %arg0 : i32
    %mul3A_1 = arith.constant 128 : i32
    %mul3A_2 = arith.muli %add3A, %mul3A_1 : i32
    %scan3A = arith.constant 0 : i32
    %scan3A_3 = arith.constant 0 : i32
    %scan3A_4 = arith.constant 128 : i32
    %scan3A_5 = arith.addi %scan3A_3, %scan3A_4 : i32
    %scan3A_6 = arith.constant 1 : i32
    scf.for %scan3A_8 = %scan3A_3 to %scan3A_5 step %scan3A_6  : i32 {
      %add3A_9 = arith.addi %mul3A_2, %scan3A_8 : i32
      "tpu.region"() ({
        %run_scoped3A = tpu.sem_alloc : memref<!tpu.dma_semaphore, #tpu.memory_space<semaphore_mem>>
        %dma_start3A = arith.constant 0 : i32
        %dma_start3A_246 = tpu.memref_slice %arg2[%add3A_9, %dma_start3A] : memref<4096x8192xf32, #tpu.memory_space<hbm>> -> memref<1x8192xf32, #tpu.memory_space<hbm>>
        %dma_start3A_247 = tpu.memref_squeeze %dma_start3A_246 : memref<1x8192xf32, #tpu.memory_space<hbm>> -> memref<8192xf32, #tpu.memory_space<hbm>>
        %dma_start3A_248 = arith.constant 0 : i32
        %dma_start3A_249 = tpu.memref_slice %arg2[%add3A_9, %dma_start3A_248] : memref<4096x8192xf32, #tpu.memory_space<hbm>> -> memref<1x8192xf32, #tpu.memory_space<hbm>>
        %dma_start3A_250 = tpu.memref_squeeze %dma_start3A_249 : memref<1x8192xf32, #tpu.memory_space<hbm>> -> memref<8192xf32, #tpu.memory_space<hbm>>
        tpu.enqueue_dma source(%dma_start3A_250 : memref<8192xf32, #tpu.memory_space<hbm>>) target(%arg4 : memref<8192xf32, #tpu.memory_space<vmem>>) target_semaphore(%run_scoped3A : memref<!tpu.dma_semaphore, #tpu.memory_space<semaphore_mem>>)
        %dma_wait3A = arith.constant 0 : i32
        %dma_wait3A_251 = tpu.memref_slice %arg2[%add3A_9, %dma_wait3A] : memref<4096x8192xf32, #tpu.memory_space<hbm>> -> memref<1x8192xf32, #tpu.memory_space<hbm>>
        %dma_wait3A_252 = tpu.memref_squeeze %dma_wait3A_251 : memref<1x8192xf32, #tpu.memory_space<hbm>> -> memref<8192xf32, #tpu.memory_space<hbm>>
        %dma_wait3A_253 = arith.constant 0 : i32
        %dma_wait3A_254 = tpu.memref_slice %arg2[%add3A_9, %dma_wait3A_253] : memref<4096x8192xf32, #tpu.memory_space<hbm>> -> memref<1x8192xf32, #tpu.memory_space<hbm>>
        %dma_wait3A_255 = tpu.memref_squeeze %dma_wait3A_254 : memref<1x8192xf32, #tpu.memory_space<hbm>> -> memref<8192xf32, #tpu.memory_space<hbm>>
        tpu.wait_dma2 semaphore(%run_scoped3A : memref<!tpu.dma_semaphore, #tpu.memory_space<semaphore_mem>>) src(%dma_wait3A_255 : memref<8192xf32, #tpu.memory_space<hbm>>) dst(%arg4 : memref<8192xf32, #tpu.memory_space<vmem>>)
        tpu.yield
      }) : () -> ()
      %broadcast_in_dim3A = arith.constant 0xFF800000 : f32
      %broadcast_in_dim3A_10 = vector.broadcast %broadcast_in_dim3A : f32 to vector<16xf32>
      %scan3A_11 = arith.constant 0 : i32
      %scan3A_12 = arith.constant 512 : i32
      %scan3A_13 = arith.addi %scan3A_11, %scan3A_12 : i32
      %scan3A_14 = arith.constant 1 : i32
      %scan3A_15 = scf.for %scan3A_246 = %scan3A_11 to %scan3A_13 step %scan3A_14 iter_args(%scan3A_247 = %broadcast_in_dim3A_10) -> (vector<16xf32>)  : i32 {
        %mul3A_248 = arith.constant 16 : i32
        %mul3A_249 = arith.muli %scan3A_246, %mul3A_248 : i32
        %get3A = arith.index_cast %mul3A_249 : i32 to index
        %get3A_250 = tpu.vector_load %arg4[%get3A] {strides = array<i32>} : memref<8192xf32, #tpu.memory_space<vmem>>, vector<16xf32>,
        %max3A_251 = arith.maximumf %scan3A_247, %get3A_250 : vector<16xf32>
        scf.yield %max3A_251 : vector<16xf32>
      }
      %scan3A_16 = arith.constant 512 : i32
      %broadcast_in_dim3A_17 = arith.constant true
      %broadcast_in_dim3A_18 = vector.broadcast %broadcast_in_dim3A_17 : i1 to vector<16xi1>
      %masked_cummax3A = tpu.scan <max>, %scan3A_15 masked %broadcast_in_dim3A_18 : vector<16xf32>, vector<16xi1> -> vector<16xf32>
      %broadcast_in_dim3A_19 = arith.constant 15 : i32
      %broadcast_in_dim3A_20 = vector.broadcast %broadcast_in_dim3A_19 : i32 to vector<16x1xi32>
      %gather3A = vector.shape_cast %broadcast_in_dim3A_20 : vector<16x1xi32> to vector<16xi32>
      %gather3A_21 = tpu.dynamic_gather %masked_cummax3A[%gather3A] in [0] : vector<16xf32>, vector<16xi32> -> vector<16xf32>
      %sub3A = arith.constant 1.000000e+00 : f32
      %sub3A_22 = vector.broadcast %sub3A : f32 to vector<16xf32>
      %sub3A_23 = arith.subf %gather3A_21, %sub3A_22 : vector<16xf32>
      %broadcast_in_dim3A_24 = arith.constant 0.000000e+00 : f32
      %broadcast_in_dim3A_25 = vector.broadcast %broadcast_in_dim3A_24 : f32 to vector<16xf32>
      %broadcast_in_dim3A_26 = arith.constant 0.000000e+00 : f32
      %broadcast_in_dim3A_27 = vector.broadcast %broadcast_in_dim3A_26 : f32 to vector<16xf32>
      %broadcast_in_dim3A_28 = arith.constant 0.000000e+00 : f32
      %broadcast_in_dim3A_29 = vector.broadcast %broadcast_in_dim3A_28 : f32 to vector<16xf32>
      %scan3A_30 = arith.constant 0 : i32
      %scan3A_31 = arith.constant 512 : i32
      %scan3A_32 = arith.addi %scan3A_30, %scan3A_31 : i32
      %scan3A_33 = arith.constant 1 : i32
      %scan3A_34:2 = scf.for %scan3A_246 = %scan3A_30 to %scan3A_32 step %scan3A_33 iter_args(%scan3A_247 = %broadcast_in_dim3A_27, %scan3A_248 = %broadcast_in_dim3A_29) -> (vector<16xf32>, vector<16xf32>)  : i32 {
        %mul3A_249 = arith.constant 16 : i32
        %mul3A_250 = arith.muli %scan3A_246, %mul3A_249 : i32
        %get3A = arith.index_cast %mul3A_250 : i32 to index
        %get3A_251 = tpu.vector_load %arg4[%get3A] {strides = array<i32>} : memref<8192xf32, #tpu.memory_space<vmem>>, vector<16xf32>,
        %gt3A_252 = arith.cmpf ogt, %get3A_251, %sub3A_23 : vector<16xf32>
        %jit3A_253 = arith.constant 1.000000e+00 : f32
        %jit3A_254 = arith.constant 0.000000e+00 : f32
        %broadcast_in_dim3A_255 = vector.broadcast %jit3A_253 : f32 to vector<16xf32>
        %broadcast_in_dim3A_256 = vector.broadcast %jit3A_254 : f32 to vector<16xf32>
        %select_n3A_257 = arith.select %gt3A_252, %broadcast_in_dim3A_255, %broadcast_in_dim3A_256 : vector<16xi1>, vector<16xf32>
        %mul3A_258 = arith.mulf %get3A_251, %select_n3A_257 : vector<16xf32>
        %add3A_259 = arith.addf %scan3A_247, %mul3A_258 : vector<16xf32>
        %add3A_260 = arith.addf %scan3A_248, %select_n3A_257 : vector<16xf32>
        scf.yield %add3A_259, %add3A_260 : vector<16xf32>, vector<16xf32>
      }
      %scan3A_35 = arith.constant 512 : i32
      %broadcast_in_dim3A_36 = arith.constant true
      %broadcast_in_dim3A_37 = vector.broadcast %broadcast_in_dim3A_36 : i1 to vector<16xi1>
      %masked_cumsum3A = tpu.scan <sum>, %scan3A_34#0 masked %broadcast_in_dim3A_37 : vector<16xf32>, vector<16xi1> -> vector<16xf32>
      %broadcast_in_dim3A_38 = arith.constant 15 : i32
      %broadcast_in_dim3A_39 = vector.broadcast %broadcast_in_dim3A_38 : i32 to vector<16x1xi32>
      %gather3A_40 = vector.shape_cast %broadcast_in_dim3A_39 : vector<16x1xi32> to vector<16xi32>
      %gather3A_41 = tpu.dynamic_gather %masked_cumsum3A[%gather3A_40] in [0] : vector<16xf32>, vector<16xi32> -> vector<16xf32>
      %broadcast_in_dim3A_42 = arith.constant true
      %broadcast_in_dim3A_43 = vector.broadcast %broadcast_in_dim3A_42 : i1 to vector<16xi1>
      %masked_cumsum3A_44 = tpu.scan <sum>, %scan3A_34#1 masked %broadcast_in_dim3A_43 : vector<16xf32>, vector<16xi1> -> vector<16xf32>
      %broadcast_in_dim3A_45 = arith.constant 15 : i32
      %broadcast_in_dim3A_46 = vector.broadcast %broadcast_in_dim3A_45 : i32 to vector<16x1xi32>
      %gather3A_47 = vector.shape_cast %broadcast_in_dim3A_46 : vector<16x1xi32> to vector<16xi32>
      %gather3A_48 = tpu.dynamic_gather %masked_cumsum3A_44[%gather3A_47] in [0] : vector<16xf32>, vector<16xi32> -> vector<16xf32>
      %mul3A_49 = arith.mulf %gather3A_48, %sub3A_23 : vector<16xf32>
      %sub3A_50 = arith.subf %gather3A_41, %mul3A_49 : vector<16xf32>
      %sub3A_51 = arith.constant 1.000000e+00 : f32
      %sub3A_52 = vector.broadcast %sub3A_51 : f32 to vector<16xf32>
      %sub3A_53 = arith.subf %sub3A_50, %sub3A_52 : vector<16xf32>
      %sub3A_54 = arith.constant 1.000000e+00 : f32
      %sub3A_55 = vector.broadcast %sub3A_54 : f32 to vector<16xf32>
      %sub3A_56 = arith.subf %gather3A_41, %sub3A_55 : vector<16xf32>
      %max3A = arith.constant 1.000000e+00 : f32
      %max3A_57 = vector.broadcast %max3A : f32 to vector<16xf32>
      %max3A_58 = arith.maximumf %gather3A_48, %max3A_57 : vector<16xf32>
      %div3A = arith.divf %sub3A_56, %max3A_58 : vector<16xf32>
      %broadcast_in_dim3A_59 = arith.constant 0.000000e+00 : f32
      %broadcast_in_dim3A_60 = vector.broadcast %broadcast_in_dim3A_59 : f32 to vector<16xf32>
      %broadcast_in_dim3A_61 = arith.constant 0.000000e+00 : f32
      %broadcast_in_dim3A_62 = vector.broadcast %broadcast_in_dim3A_61 : f32 to vector<16xf32>
      %scan3A_63 = arith.constant 0 : i32
      %scan3A_64 = arith.constant 512 : i32
      %scan3A_65 = arith.addi %scan3A_63, %scan3A_64 : i32
      %scan3A_66 = arith.constant 1 : i32
      %scan3A_67:2 = scf.for %scan3A_246 = %scan3A_63 to %scan3A_65 step %scan3A_66 iter_args(%scan3A_247 = %broadcast_in_dim3A_60, %scan3A_248 = %broadcast_in_dim3A_62) -> (vector<16xf32>, vector<16xf32>)  : i32 {
        %mul3A_249 = arith.constant 16 : i32
        %mul3A_250 = arith.muli %scan3A_246, %mul3A_249 : i32
        %get3A = arith.index_cast %mul3A_250 : i32 to index
        %get3A_251 = tpu.vector_load %arg4[%get3A] {strides = array<i32>} : memref<8192xf32, #tpu.memory_space<vmem>>, vector<16xf32>,
        %gt3A_252 = arith.cmpf ogt, %get3A_251, %div3A : vector<16xf32>
        %jit3A_253 = arith.constant 1.000000e+00 : f32
        %jit3A_254 = arith.constant 0.000000e+00 : f32
        %broadcast_in_dim3A_255 = vector.broadcast %jit3A_253 : f32 to vector<16xf32>
        %broadcast_in_dim3A_256 = vector.broadcast %jit3A_254 : f32 to vector<16xf32>
        %select_n3A_257 = arith.select %gt3A_252, %broadcast_in_dim3A_255, %broadcast_in_dim3A_256 : vector<16xi1>, vector<16xf32>
        %mul3A_258 = arith.mulf %get3A_251, %select_n3A_257 : vector<16xf32>
        %add3A_259 = arith.addf %scan3A_247, %mul3A_258 : vector<16xf32>
        %add3A_260 = arith.addf %scan3A_248, %select_n3A_257 : vector<16xf32>
        scf.yield %add3A_259, %add3A_260 : vector<16xf32>, vector<16xf32>
      }
      %scan3A_68 = arith.constant 512 : i32
      %broadcast_in_dim3A_69 = arith.constant true
      %broadcast_in_dim3A_70 = vector.broadcast %broadcast_in_dim3A_69 : i1 to vector<16xi1>
      %masked_cumsum3A_71 = tpu.scan <sum>, %scan3A_67#0 masked %broadcast_in_dim3A_70 : vector<16xf32>, vector<16xi1> -> vector<16xf32>
      %broadcast_in_dim3A_72 = arith.constant 15 : i32
      %broadcast_in_dim3A_73 = vector.broadcast %broadcast_in_dim3A_72 : i32 to vector<16x1xi32>
      %gather3A_74 = vector.shape_cast %broadcast_in_dim3A_73 : vector<16x1xi32> to vector<16xi32>
      %gather3A_75 = tpu.dynamic_gather %masked_cumsum3A_71[%gather3A_74] in [0] : vector<16xf32>, vector<16xi32> -> vector<16xf32>
      %broadcast_in_dim3A_76 = arith.constant true
      %broadcast_in_dim3A_77 = vector.broadcast %broadcast_in_dim3A_76 : i1 to vector<16xi1>
      %masked_cumsum3A_78 = tpu.scan <sum>, %scan3A_67#1 masked %broadcast_in_dim3A_77 : vector<16xf32>, vector<16xi1> -> vector<16xf32>
      %broadcast_in_dim3A_79 = arith.constant 15 : i32
      %broadcast_in_dim3A_80 = vector.broadcast %broadcast_in_dim3A_79 : i32 to vector<16x1xi32>
      %gather3A_81 = vector.shape_cast %broadcast_in_dim3A_80 : vector<16x1xi32> to vector<16xi32>
      %gather3A_82 = tpu.dynamic_gather %masked_cumsum3A_78[%gather3A_81] in [0] : vector<16xf32>, vector<16xi32> -> vector<16xf32>
      %mul3A_83 = arith.mulf %gather3A_82, %div3A : vector<16xf32>
      %sub3A_84 = arith.subf %gather3A_75, %mul3A_83 : vector<16xf32>
      %sub3A_85 = arith.constant 1.000000e+00 : f32
      %sub3A_86 = vector.broadcast %sub3A_85 : f32 to vector<16xf32>
      %sub3A_87 = arith.subf %sub3A_84, %sub3A_86 : vector<16xf32>
      %sub3A_88 = arith.constant 1.000000e+00 : f32
      %sub3A_89 = vector.broadcast %sub3A_88 : f32 to vector<16xf32>
      %sub3A_90 = arith.subf %gather3A_75, %sub3A_89 : vector<16xf32>
      %max3A_91 = arith.constant 1.000000e+00 : f32
      %max3A_92 = vector.broadcast %max3A_91 : f32 to vector<16xf32>
      %max3A_93 = arith.maximumf %gather3A_82, %max3A_92 : vector<16xf32>
      %div3A_94 = arith.divf %sub3A_90, %max3A_93 : vector<16xf32>
      %broadcast_in_dim3A_95 = arith.constant 0.000000e+00 : f32
      %broadcast_in_dim3A_96 = vector.broadcast %broadcast_in_dim3A_95 : f32 to vector<16xf32>
      %broadcast_in_dim3A_97 = arith.constant 0.000000e+00 : f32
      %broadcast_in_dim3A_98 = vector.broadcast %broadcast_in_dim3A_97 : f32 to vector<16xf32>
      %scan3A_99 = arith.constant 0 : i32
      %scan3A_100 = arith.constant 512 : i32
      %scan3A_101 = arith.addi %scan3A_99, %scan3A_100 : i32
      %scan3A_102 = arith.constant 1 : i32
      %scan3A_103:2 = scf.for %scan3A_246 = %scan3A_99 to %scan3A_101 step %scan3A_102 iter_args(%scan3A_247 = %broadcast_in_dim3A_96, %scan3A_248 = %broadcast_in_dim3A_98) -> (vector<16xf32>, vector<16xf32>)  : i32 {
        %mul3A_249 = arith.constant 16 : i32
        %mul3A_250 = arith.muli %scan3A_246, %mul3A_249 : i32
        %get3A = arith.index_cast %mul3A_250 : i32 to index
        %get3A_251 = tpu.vector_load %arg4[%get3A] {strides = array<i32>} : memref<8192xf32, #tpu.memory_space<vmem>>, vector<16xf32>,
        %gt3A_252 = arith.cmpf ogt, %get3A_251, %div3A_94 : vector<16xf32>
        %jit3A_253 = arith.constant 1.000000e+00 : f32
        %jit3A_254 = arith.constant 0.000000e+00 : f32
        %broadcast_in_dim3A_255 = vector.broadcast %jit3A_253 : f32 to vector<16xf32>
        %broadcast_in_dim3A_256 = vector.broadcast %jit3A_254 : f32 to vector<16xf32>
        %select_n3A_257 = arith.select %gt3A_252, %broadcast_in_dim3A_255, %broadcast_in_dim3A_256 : vector<16xi1>, vector<16xf32>
        %mul3A_258 = arith.mulf %get3A_251, %select_n3A_257 : vector<16xf32>
        %add3A_259 = arith.addf %scan3A_247, %mul3A_258 : vector<16xf32>
        %add3A_260 = arith.addf %scan3A_248, %select_n3A_257 : vector<16xf32>
        scf.yield %add3A_259, %add3A_260 : vector<16xf32>, vector<16xf32>
      }
      %scan3A_104 = arith.constant 512 : i32
      %broadcast_in_dim3A_105 = arith.constant true
      %broadcast_in_dim3A_106 = vector.broadcast %broadcast_in_dim3A_105 : i1 to vector<16xi1>
      %masked_cumsum3A_107 = tpu.scan <sum>, %scan3A_103#0 masked %broadcast_in_dim3A_106 : vector<16xf32>, vector<16xi1> -> vector<16xf32>
      %broadcast_in_dim3A_108 = arith.constant 15 : i32
      %broadcast_in_dim3A_109 = vector.broadcast %broadcast_in_dim3A_108 : i32 to vector<16x1xi32>
      %gather3A_110 = vector.shape_cast %broadcast_in_dim3A_109 : vector<16x1xi32> to vector<16xi32>
      %gather3A_111 = tpu.dynamic_gather %masked_cumsum3A_107[%gather3A_110] in [0] : vector<16xf32>, vector<16xi32> -> vector<16xf32>
      %broadcast_in_dim3A_112 = arith.constant true
      %broadcast_in_dim3A_113 = vector.broadcast %broadcast_in_dim3A_112 : i1 to vector<16xi1>
      %masked_cumsum3A_114 = tpu.scan <sum>, %scan3A_103#1 masked %broadcast_in_dim3A_113 : vector<16xf32>, vector<16xi1> -> vector<16xf32>
      %broadcast_in_dim3A_115 = arith.constant 15 : i32
      %broadcast_in_dim3A_116 = vector.broadcast %broadcast_in_dim3A_115 : i32 to vector<16x1xi32>
      %gather3A_117 = vector.shape_cast %broadcast_in_dim3A_116 : vector<16x1xi32> to vector<16xi32>
      %gather3A_118 = tpu.dynamic_gather %masked_cumsum3A_114[%gather3A_117] in [0] : vector<16xf32>, vector<16xi32> -> vector<16xf32>
      %mul3A_119 = arith.mulf %gather3A_118, %div3A_94 : vector<16xf32>
      %sub3A_120 = arith.subf %gather3A_111, %mul3A_119 : vector<16xf32>
      %sub3A_121 = arith.constant 1.000000e+00 : f32
      %sub3A_122 = vector.broadcast %sub3A_121 : f32 to vector<16xf32>
      %sub3A_123 = arith.subf %sub3A_120, %sub3A_122 : vector<16xf32>
      %sub3A_124 = arith.constant 1.000000e+00 : f32
      %sub3A_125 = vector.broadcast %sub3A_124 : f32 to vector<16xf32>
      %sub3A_126 = arith.subf %gather3A_111, %sub3A_125 : vector<16xf32>
      %max3A_127 = arith.constant 1.000000e+00 : f32
      %max3A_128 = vector.broadcast %max3A_127 : f32 to vector<16xf32>
      %max3A_129 = arith.maximumf %gather3A_118, %max3A_128 : vector<16xf32>
      %div3A_130 = arith.divf %sub3A_126, %max3A_129 : vector<16xf32>
      %broadcast_in_dim3A_131 = arith.constant 0.000000e+00 : f32
      %broadcast_in_dim3A_132 = vector.broadcast %broadcast_in_dim3A_131 : f32 to vector<16xf32>
      %broadcast_in_dim3A_133 = arith.constant 0.000000e+00 : f32
      %broadcast_in_dim3A_134 = vector.broadcast %broadcast_in_dim3A_133 : f32 to vector<16xf32>
      %scan3A_135 = arith.constant 0 : i32
      %scan3A_136 = arith.constant 512 : i32
      %scan3A_137 = arith.addi %scan3A_135, %scan3A_136 : i32
      %scan3A_138 = arith.constant 1 : i32
      %scan3A_139:2 = scf.for %scan3A_246 = %scan3A_135 to %scan3A_137 step %scan3A_138 iter_args(%scan3A_247 = %broadcast_in_dim3A_132, %scan3A_248 = %broadcast_in_dim3A_134) -> (vector<16xf32>, vector<16xf32>)  : i32 {
        %mul3A_249 = arith.constant 16 : i32
        %mul3A_250 = arith.muli %scan3A_246, %mul3A_249 : i32
        %get3A = arith.index_cast %mul3A_250 : i32 to index
        %get3A_251 = tpu.vector_load %arg4[%get3A] {strides = array<i32>} : memref<8192xf32, #tpu.memory_space<vmem>>, vector<16xf32>,
        %gt3A_252 = arith.cmpf ogt, %get3A_251, %div3A_130 : vector<16xf32>
        %jit3A_253 = arith.constant 1.000000e+00 : f32
        %jit3A_254 = arith.constant 0.000000e+00 : f32
        %broadcast_in_dim3A_255 = vector.broadcast %jit3A_253 : f32 to vector<16xf32>
        %broadcast_in_dim3A_256 = vector.broadcast %jit3A_254 : f32 to vector<16xf32>
        %select_n3A_257 = arith.select %gt3A_252, %broadcast_in_dim3A_255, %broadcast_in_dim3A_256 : vector<16xi1>, vector<16xf32>
        %mul3A_258 = arith.mulf %get3A_251, %select_n3A_257 : vector<16xf32>
        %add3A_259 = arith.addf %scan3A_247, %mul3A_258 : vector<16xf32>
        %add3A_260 = arith.addf %scan3A_248, %select_n3A_257 : vector<16xf32>
        scf.yield %add3A_259, %add3A_260 : vector<16xf32>, vector<16xf32>
      }
      %scan3A_140 = arith.constant 512 : i32
      %broadcast_in_dim3A_141 = arith.constant true
      %broadcast_in_dim3A_142 = vector.broadcast %broadcast_in_dim3A_141 : i1 to vector<16xi1>
      %masked_cumsum3A_143 = tpu.scan <sum>, %scan3A_139#0 masked %broadcast_in_dim3A_142 : vector<16xf32>, vector<16xi1> -> vector<16xf32>
      %broadcast_in_dim3A_144 = arith.constant 15 : i32
      %broadcast_in_dim3A_145 = vector.broadcast %broadcast_in_dim3A_144 : i32 to vector<16x1xi32>
      %gather3A_146 = vector.shape_cast %broadcast_in_dim3A_145 : vector<16x1xi32> to vector<16xi32>
      %gather3A_147 = tpu.dynamic_gather %masked_cumsum3A_143[%gather3A_146] in [0] : vector<16xf32>, vector<16xi32> -> vector<16xf32>
      %broadcast_in_dim3A_148 = arith.constant true
      %broadcast_in_dim3A_149 = vector.broadcast %broadcast_in_dim3A_148 : i1 to vector<16xi1>
      %masked_cumsum3A_150 = tpu.scan <sum>, %scan3A_139#1 masked %broadcast_in_dim3A_149 : vector<16xf32>, vector<16xi1> -> vector<16xf32>
      %broadcast_in_dim3A_151 = arith.constant 15 : i32
      %broadcast_in_dim3A_152 = vector.broadcast %broadcast_in_dim3A_151 : i32 to vector<16x1xi32>
      %gather3A_153 = vector.shape_cast %broadcast_in_dim3A_152 : vector<16x1xi32> to vector<16xi32>
      %gather3A_154 = tpu.dynamic_gather %masked_cumsum3A_150[%gather3A_153] in [0] : vector<16xf32>, vector<16xi32> -> vector<16xf32>
      %mul3A_155 = arith.mulf %gather3A_154, %div3A_130 : vector<16xf32>
      %sub3A_156 = arith.subf %gather3A_147, %mul3A_155 : vector<16xf32>
      %sub3A_157 = arith.constant 1.000000e+00 : f32
      %sub3A_158 = vector.broadcast %sub3A_157 : f32 to vector<16xf32>
      %sub3A_159 = arith.subf %sub3A_156, %sub3A_158 : vector<16xf32>
      %sub3A_160 = arith.constant 1.000000e+00 : f32
      %sub3A_161 = vector.broadcast %sub3A_160 : f32 to vector<16xf32>
      %sub3A_162 = arith.subf %gather3A_147, %sub3A_161 : vector<16xf32>
      %max3A_163 = arith.constant 1.000000e+00 : f32
      %max3A_164 = vector.broadcast %max3A_163 : f32 to vector<16xf32>
      %max3A_165 = arith.maximumf %gather3A_154, %max3A_164 : vector<16xf32>
      %div3A_166 = arith.divf %sub3A_162, %max3A_165 : vector<16xf32>
      %broadcast_in_dim3A_167 = arith.constant 0.000000e+00 : f32
      %broadcast_in_dim3A_168 = vector.broadcast %broadcast_in_dim3A_167 : f32 to vector<16xf32>
      %scan3A_169 = arith.constant 0 : i32
      %scan3A_170 = arith.constant 512 : i32
      %scan3A_171 = arith.addi %scan3A_169, %scan3A_170 : i32
      %scan3A_172 = arith.constant 1 : i32
      %scan3A_173 = scf.for %scan3A_246 = %scan3A_169 to %scan3A_171 step %scan3A_172 iter_args(%scan3A_247 = %broadcast_in_dim3A_168) -> (vector<16xf32>)  : i32 {
        %mul3A_248 = arith.constant 16 : i32
        %mul3A_249 = arith.muli %scan3A_246, %mul3A_248 : i32
        %get3A = arith.index_cast %mul3A_249 : i32 to index
        %get3A_250 = tpu.vector_load %arg4[%get3A] {strides = array<i32>} : memref<8192xf32, #tpu.memory_space<vmem>>, vector<16xf32>,
        %sub3A_251 = arith.subf %get3A_250, %div3A_166 : vector<16xf32>
        %max3A_252 = arith.constant 0.000000e+00 : f32
        %max3A_253 = vector.broadcast %max3A_252 : f32 to vector<16xf32>
        %max3A_254 = arith.maximumf %sub3A_251, %max3A_253 : vector<16xf32>
        %add3A_255 = arith.addf %scan3A_247, %max3A_254 : vector<16xf32>
        scf.yield %add3A_255 : vector<16xf32>
      }
      %scan3A_174 = arith.constant 512 : i32
      %broadcast_in_dim3A_175 = arith.constant true
      %broadcast_in_dim3A_176 = vector.broadcast %broadcast_in_dim3A_175 : i1 to vector<16xi1>
      %masked_cumsum3A_177 = tpu.scan <sum>, %scan3A_173 masked %broadcast_in_dim3A_176 : vector<16xf32>, vector<16xi1> -> vector<16xf32>
      %broadcast_in_dim3A_178 = arith.constant 15 : i32
      %broadcast_in_dim3A_179 = vector.broadcast %broadcast_in_dim3A_178 : i32 to vector<16x1xi32>
      %gather3A_180 = vector.shape_cast %broadcast_in_dim3A_179 : vector<16x1xi32> to vector<16xi32>
      %gather3A_181 = tpu.dynamic_gather %masked_cumsum3A_177[%gather3A_180] in [0] : vector<16xf32>, vector<16xi32> -> vector<16xf32>
      %sub3A_182 = arith.constant 1.000000e+00 : f32
      %sub3A_183 = vector.broadcast %sub3A_182 : f32 to vector<16xf32>
      %sub3A_184 = arith.subf %gather3A_181, %sub3A_183 : vector<16xf32>
      %sub3A_185 = arith.subf %sub3A_159, %sub3A_184 : vector<16xf32>
      %gt3A = arith.constant 0.000000e+00 : f32
      %gt3A_186 = vector.broadcast %gt3A : f32 to vector<16xf32>
      %gt3A_187 = arith.cmpf ogt, %sub3A_185, %gt3A_186 : vector<16xf32>
      %sub3A_188 = arith.subf %div3A_166, %div3A_130 : vector<16xf32>
      %mul3A_189 = arith.mulf %sub3A_184, %sub3A_188 : vector<16xf32>
      %eq3A = arith.constant 0.000000e+00 : f32
      %eq3A_190 = vector.broadcast %eq3A : f32 to vector<16xf32>
      %eq3A_191 = arith.cmpf oeq, %sub3A_185, %eq3A_190 : vector<16xf32>
      %jit3A = arith.constant 1.000000e+00 : f32
      %broadcast_in_dim3A_192 = vector.broadcast %jit3A : f32 to vector<16xf32>
      %select_n3A = arith.select %eq3A_191, %broadcast_in_dim3A_192, %sub3A_185 : vector<16xi1>, vector<16xf32>
      %div3A_193 = arith.divf %mul3A_189, %select_n3A : vector<16xf32>
      %jit3A_194 = arith.constant 0.000000e+00 : f32
      %broadcast_in_dim3A_195 = vector.broadcast %jit3A_194 : f32 to vector<16xf32>
      %select_n3A_196 = arith.select %gt3A_187, %div3A_193, %broadcast_in_dim3A_195 : vector<16xi1>, vector<16xf32>
      %max3A_197 = arith.constant 0.000000e+00 : f32
      %max3A_198 = vector.broadcast %max3A_197 : f32 to vector<16xf32>
      %max3A_199 = arith.maximumf %select_n3A_196, %max3A_198 : vector<16xf32>
      %add3A_200 = arith.addf %div3A_166, %max3A_199 : vector<16xf32>
      %broadcast_in_dim3A_201 = arith.constant 0.000000e+00 : f32
      %broadcast_in_dim3A_202 = vector.broadcast %broadcast_in_dim3A_201 : f32 to vector<16xf32>
      %scan3A_203 = arith.constant 0 : i32
      %scan3A_204 = arith.constant 512 : i32
      %scan3A_205 = arith.addi %scan3A_203, %scan3A_204 : i32
      %scan3A_206 = arith.constant 1 : i32
      %scan3A_207 = scf.for %scan3A_246 = %scan3A_203 to %scan3A_205 step %scan3A_206 iter_args(%scan3A_247 = %broadcast_in_dim3A_202) -> (vector<16xf32>)  : i32 {
        %mul3A_248 = arith.constant 16 : i32
        %mul3A_249 = arith.muli %scan3A_246, %mul3A_248 : i32
        %get3A = arith.index_cast %mul3A_249 : i32 to index
        %get3A_250 = tpu.vector_load %arg4[%get3A] {strides = array<i32>} : memref<8192xf32, #tpu.memory_space<vmem>>, vector<16xf32>,
        %sub3A_251 = arith.subf %get3A_250, %add3A_200 : vector<16xf32>
        %max3A_252 = arith.constant 0.000000e+00 : f32
        %max3A_253 = vector.broadcast %max3A_252 : f32 to vector<16xf32>
        %max3A_254 = arith.maximumf %sub3A_251, %max3A_253 : vector<16xf32>
        %add3A_255 = arith.addf %scan3A_247, %max3A_254 : vector<16xf32>
        scf.yield %add3A_255 : vector<16xf32>
      }
      %scan3A_208 = arith.constant 512 : i32
      %broadcast_in_dim3A_209 = arith.constant true
      %broadcast_in_dim3A_210 = vector.broadcast %broadcast_in_dim3A_209 : i1 to vector<16xi1>
      %masked_cumsum3A_211 = tpu.scan <sum>, %scan3A_207 masked %broadcast_in_dim3A_210 : vector<16xf32>, vector<16xi1> -> vector<16xf32>
      %broadcast_in_dim3A_212 = arith.constant 15 : i32
      %broadcast_in_dim3A_213 = vector.broadcast %broadcast_in_dim3A_212 : i32 to vector<16x1xi32>
      %gather3A_214 = vector.shape_cast %broadcast_in_dim3A_213 : vector<16x1xi32> to vector<16xi32>
      %gather3A_215 = tpu.dynamic_gather %masked_cumsum3A_211[%gather3A_214] in [0] : vector<16xf32>, vector<16xi32> -> vector<16xf32>
      %sub3A_216 = arith.constant 1.000000e+00 : f32
      %sub3A_217 = vector.broadcast %sub3A_216 : f32 to vector<16xf32>
      %sub3A_218 = arith.subf %gather3A_215, %sub3A_217 : vector<16xf32>
      %sub3A_219 = arith.subf %sub3A_184, %sub3A_218 : vector<16xf32>
      %gt3A_220 = arith.constant 0.000000e+00 : f32
      %gt3A_221 = vector.broadcast %gt3A_220 : f32 to vector<16xf32>
      %gt3A_222 = arith.cmpf ogt, %sub3A_219, %gt3A_221 : vector<16xf32>
      %sub3A_223 = arith.subf %add3A_200, %div3A_166 : vector<16xf32>
      %mul3A_224 = arith.mulf %sub3A_218, %sub3A_223 : vector<16xf32>
      %eq3A_225 = arith.constant 0.000000e+00 : f32
      %eq3A_226 = vector.broadcast %eq3A_225 : f32 to vector<16xf32>
      %eq3A_227 = arith.cmpf oeq, %sub3A_219, %eq3A_226 : vector<16xf32>
      %jit3A_228 = arith.constant 1.000000e+00 : f32
      %broadcast_in_dim3A_229 = vector.broadcast %jit3A_228 : f32 to vector<16xf32>
      %select_n3A_230 = arith.select %eq3A_227, %broadcast_in_dim3A_229, %sub3A_219 : vector<16xi1>, vector<16xf32>
      %div3A_231 = arith.divf %mul3A_224, %select_n3A_230 : vector<16xf32>
      %jit3A_232 = arith.constant 0.000000e+00 : f32
      %broadcast_in_dim3A_233 = vector.broadcast %jit3A_232 : f32 to vector<16xf32>
      %select_n3A_234 = arith.select %gt3A_222, %div3A_231, %broadcast_in_dim3A_233 : vector<16xi1>, vector<16xf32>
      %max3A_235 = arith.constant 0.000000e+00 : f32
      %max3A_236 = vector.broadcast %max3A_235 : f32 to vector<16xf32>
      %max3A_237 = arith.maximumf %select_n3A_234, %max3A_236 : vector<16xf32>
      %add3A_238 = arith.addf %add3A_200, %max3A_237 : vector<16xf32>
      %scan3A_239 = arith.constant 0 : i32
      %scan3A_240 = arith.constant 0 : i32
      %scan3A_241 = arith.constant 512 : i32
      %scan3A_242 = arith.addi %scan3A_240, %scan3A_241 : i32
      %scan3A_243 = arith.constant 1 : i32
      scf.for %scan3A_246 = %scan3A_240 to %scan3A_242 step %scan3A_243  : i32 {
        %mul3A_247 = arith.constant 16 : i32
        %mul3A_248 = arith.muli %scan3A_246, %mul3A_247 : i32
        %get3A = arith.index_cast %mul3A_248 : i32 to index
        %get3A_249 = tpu.vector_load %arg4[%get3A] {strides = array<i32>} : memref<8192xf32, #tpu.memory_space<vmem>>, vector<16xf32>,
        %sub3A_250 = arith.subf %get3A_249, %add3A_238 : vector<16xf32>
        %max3A_251 = arith.constant 0.000000e+00 : f32
        %max3A_252 = vector.broadcast %max3A_251 : f32 to vector<16xf32>
        %max3A_253 = arith.maximumf %sub3A_250, %max3A_252 : vector<16xf32>
        %mul3A_254 = arith.constant 16 : i32
        %mul3A_255 = arith.muli %scan3A_246, %mul3A_254 : i32
        %swap3A = arith.index_cast %mul3A_255 : i32 to index
        %swap3A_256 = tpu.vector_load %arg5[%swap3A] {strides = array<i32>} : memref<8192xf32, #tpu.memory_space<vmem>>, vector<16xf32>,
        tpu.vector_store %arg5[%swap3A], %max3A_253 {strides = array<i32>} : memref<8192xf32, #tpu.memory_space<vmem>>, vector<16xf32>,
      }
      %scan3A_244 = arith.constant 512 : i32
      %add3A_245 = arith.addi %mul3A_2, %scan3A_8 : i32
      "tpu.region"() ({
        %run_scoped3A = tpu.sem_alloc : memref<!tpu.dma_semaphore, #tpu.memory_space<semaphore_mem>>
        %dma_start3A = arith.constant 0 : i32
        %dma_start3A_246 = tpu.memref_slice %arg3[%add3A_245, %dma_start3A] : memref<4096x8192xf32, #tpu.memory_space<hbm>> -> memref<1x8192xf32, #tpu.memory_space<hbm>>
        %dma_start3A_247 = tpu.memref_squeeze %dma_start3A_246 : memref<1x8192xf32, #tpu.memory_space<hbm>> -> memref<8192xf32, #tpu.memory_space<hbm>>
        %dma_start3A_248 = arith.constant 0 : i32
        %dma_start3A_249 = tpu.memref_slice %arg3[%add3A_245, %dma_start3A_248] : memref<4096x8192xf32, #tpu.memory_space<hbm>> -> memref<1x8192xf32, #tpu.memory_space<hbm>>
        %dma_start3A_250 = tpu.memref_squeeze %dma_start3A_249 : memref<1x8192xf32, #tpu.memory_space<hbm>> -> memref<8192xf32, #tpu.memory_space<hbm>>
        tpu.enqueue_dma source(%arg5 : memref<8192xf32, #tpu.memory_space<vmem>>) target(%dma_start3A_250 : memref<8192xf32, #tpu.memory_space<hbm>>) target_semaphore(%run_scoped3A : memref<!tpu.dma_semaphore, #tpu.memory_space<semaphore_mem>>)
        %dma_wait3A = arith.constant 0 : i32
        %dma_wait3A_251 = tpu.memref_slice %arg3[%add3A_245, %dma_wait3A] : memref<4096x8192xf32, #tpu.memory_space<hbm>> -> memref<1x8192xf32, #tpu.memory_space<hbm>>
        %dma_wait3A_252 = tpu.memref_squeeze %dma_wait3A_251 : memref<1x8192xf32, #tpu.memory_space<hbm>> -> memref<8192xf32, #tpu.memory_space<hbm>>
        %dma_wait3A_253 = arith.constant 0 : i32
        %dma_wait3A_254 = tpu.memref_slice %arg3[%add3A_245, %dma_wait3A_253] : memref<4096x8192xf32, #tpu.memory_space<hbm>> -> memref<1x8192xf32, #tpu.memory_space<hbm>>
        %dma_wait3A_255 = tpu.memref_squeeze %dma_wait3A_254 : memref<1x8192xf32, #tpu.memory_space<hbm>> -> memref<8192xf32, #tpu.memory_space<hbm>>
        tpu.wait_dma2 semaphore(%run_scoped3A : memref<!tpu.dma_semaphore, #tpu.memory_space<semaphore_mem>>) src(%arg5 : memref<8192xf32, #tpu.memory_space<vmem>>) dst(%dma_wait3A_255 : memref<8192xf32, #tpu.memory_space<hbm>>)
        tpu.yield
      }) : () -> ()
    }
    %scan3A_7 = arith.constant 128 : i32
    return
  }
}

</mosaic_0001>

<sc_bundles>
// kernel: _sc_project_full.3.cloned.1.call-start
scs
__scs_entry_jumppad:
0x0: {  	(pc) =	sbr.rel $0x88, $3  }
0x1: {  	(tag) =	ssettag $0x0;
	lr =	simm.s32 $0x1  }
0x2: {  	[smem:$0x3FA0] =	sst lr;
	_ =	strace $0xD0000000  }
0x3: {  	_ = 	snop  }
0x4: {  	_ = 	snop  }
0x5: {  	_ = 	snop  }
0x6: {  	_ = 	snop  }
0x7: {  	_ = 	snop  }
__scs_overlays_trampoline_lowered:
0x8: {  	[smem:$0x3FAF] =	sst s0  }
0x9: {  	[smem:$0x3FB0] =	sst s1  }
0xa: {  	[smem:$0x3FB1] =	sst s2  }
0xb: {  	[smem:$0x3FB2] =	sst s3  }
0xc: {  	[smem:$0x3FB3] =	sst s4  }
0xd: {  	[smem:$0x3FB4] =	sst s5  }
0xe: {  	[smem:$0x3FB5] =	sst s6  }
0xf: {  	[smem:$0x3FB6] =	sst s7  }
0x10: {  	[smem:$0x3FB7] =	sst s8  }
0x11: {  	[smem:$0x3FB8] =	sst s9;
	s0 =	simm.s32 @!p0 $0x0  }
0x12: {  	s1 =	sld [smem:$0x3F9E];
	s0 =	simm.s32 @p0 $0x1  }
0x13: {  	[smem:$0x3FB9] =	sst s0;
	s0 =	simm.s32 @!p1 $0x0  }
0x14: {  	s2 =	sld [smem:$0x3F9D];
	s0 =	simm.s32 @p1 $0x1  }
0x15: {  	[smem:$0x3FBA] =	sst s0;
	s0 =	simm.s32 @!p2 $0x0  }
0x16: {  	s3 =	sld [smem:$0x3FDB];
	s0 =	simm.s32 @p2 $0x1  }
0x17: {  	s4 =	simm.s32 $0x1BF5;
	[smem:$0x3FBC] =	sst s0  }
0x18: {  	s0 =	sld [smem:$0x3F9F];
	_ =	swait.ge [sflag:s4], $0x0  }
0x19: {  	s7 =	sld [smem:$0x3FA0]  }
0x1a: {  	s8 =	sadd.s32 $0xFFFFE003, lr  }
0x1b: {  	s9 =	sadd.s32 $0xFFFFFEF7, lr;
	s5 =	simm.s32 $0xFFFFFFFF;
	p2 =	slt.u32 s8, $0xFFFFF086  }
0x1c: {  	p1 =	slt.u32 s9, $0xF7A;
	s5 =	simm.s32 @!p2 $0x0  }
0x1d: {  	s5 =	simm.s32 @p1 $0x1;
	p0 =	seq.s32 s7, s2  }
0x1e: {  	s7 =	smul.u32 @!p0 $0xF7A, s2;
	p2 =	seq.s32 @!p0 s5, $0x0  }
0x1f: {  	s9 =	smul.u32 $0xF7A, s1;
	s8 =	simm.s32 @!p0 $0x1BF5;
	p2 =	por !p2, p0  }
0x20: {  	[sflag:s8] =	ssyncset.s32 @!p0 $0xFFFFF086;
	s6 =	sadd.s32 @!p0 s3, s7;
	s7 =	simm.s32 @!p0 $0x108  }
0x21: {  	s3 =	sadd.s32 s3, s9;
	s6 =	sadd.s32 @!p0 $0x88, s6;
	s7 =	simm.s32 @p2 $0x1082  }
0x22: {  	[simem:s7], [sflag:s8] =	dma.local @!p0 [hbm:s6], $0xF7A  }
0x23: {  	s9 =	sor.u32 $0xD0000000, s2;
	s6 =	simm.s32 $0x108;
	_ =	swait.ge @!p0 [sflag:s8], $0x0  }
0x24: {  	s3 =	sadd.s32 $0x88, s3;
	s6 =	simm.s32 @!p1 $0x1082;
	[sflag:s4] =	ssyncset.s32 $0xFFFFF086  }
0x25: {  	[simem:s6], [sflag:s4] =	dma.local [hbm:s3], $0xF7A  }
0x26: {  	[smem:$0x3FA0] =	sst s1;
	(tag) =	ssettag s2;
	_ =	strace s9  }
0x27: {  	s1 =	sld [smem:$0x3FB0]  }
0x28: {  	s2 =	sld [smem:$0x3FB1]  }
0x29: {  	s4 =	sld [smem:$0x3FB3]  }
0x2a: {  	p0 =	seq.s32 s5, $0x0;
	s5 =	sld [smem:$0x3FB4]  }
0x2b: {  	s6 =	sld [smem:$0x3FB5]  }
0x2c: {  	s7 =	sld [smem:$0x3FB6]  }
0x2d: {  	s3 =	simm.s32 $0x108;
	s8 =	sld [smem:$0x3FB7]  }
0x2e: {  	s3 =	simm.s32 @!p0 $0x1082;
	s9 =	sld [smem:$0x3FB8]  }
0x2f: {  	lr =	sadd.s32 s0, s3;
	s0 =	sld [smem:$0x3FAF]  }
0x30: {  	s3 =	sld [smem:$0x3FB2]  }
0x31: {  	[smem:$0x3FBB] =	sst s10  }
0x32: {  	s10 =	sld [smem:$0x3FB9];
	_ =	sdelay $0x3  }
0x33: {  	p0 =	seq.s32 s10, $0x1;
	s10 =	sld [smem:$0x3FBB];
	_ =	sdelay $0x3  }
0x34: {  	[smem:$0x3FBB] =	sst s10  }
0x35: {  	s10 =	sld [smem:$0x3FBA];
	_ =	sdelay $0x3  }
0x36: {  	p1 =	seq.s32 s10, $0x1;
	s10 =	sld [smem:$0x3FBB];
	_ =	sdelay $0x3  }
0x37: {  	[smem:$0x3FBB] =	sst s10  }
0x38: {  	s10 =	sld [smem:$0x3FBC]  }
0x39: {  	_ = 	snop;
	(pc) =	sbr.ind lr, $3  }
0x3a: {  	_ = 	snop  }
0x3b: {  	_ = 	snop  }
0x3c: {  	p2 =	seq.s32 s10, $0x1;
	s10 =	sld [smem:$0x3FBB]  }
0x3d: {  	_ =	shalt  }
0x3e: {  	_ =	shalt  }
0x3f: {  	_ =	shalt  }
0x40: {  	_ =	shalt  }
0x41: {  	_ =	shalt  }
0x42: {  	_ =	shalt  }
0x43: {  	_ =	shalt  }
0x44: {  	_ =	shalt  }
0x45: {  	_ =	shalt  }
0x46: {  	_ =	shalt  }
0x47: {  	_ =	shalt  }
0x48: {  	_ =	shalt  }
0x49: {  	_ =	shalt  }
0x4a: {  	_ =	shalt  }
0x4b: {  	_ =	shalt  }
0x4c: {  	_ =	shalt  }
0x4d: {  	_ =	shalt  }
0x4e: {  	_ =	shalt  }
0x4f: {  	_ =	shalt  }
0x50: {  	_ =	shalt  }
0x51: {  	_ =	shalt  }
0x52: {  	_ =	shalt  }
0x53: {  	_ =	shalt  }
0x54: {  	_ =	shalt  }
0x55: {  	_ =	shalt  }
0x56: {  	_ =	shalt  }
0x57: {  	_ =	shalt  }
0x58: {  	_ =	shalt  }
0x59: {  	_ =	shalt  }
0x5a: {  	_ =	shalt  }
0x5b: {  	_ =	shalt  }
0x5c: {  	_ =	shalt  }
0x5d: {  	_ =	shalt  }
0x5e: {  	_ =	shalt  }
0x5f: {  	_ =	shalt  }
0x60: {  	_ =	shalt  }
0x61: {  	_ =	shalt  }
0x62: {  	_ =	shalt  }
0x63: {  	_ =	shalt  }
0x64: {  	_ =	shalt  }
0x65: {  	_ =	shalt  }
0x66: {  	_ =	shalt  }
0x67: {  	_ =	shalt  }
0x68: {  	_ =	shalt  }
0x69: {  	_ =	shalt  }
0x6a: {  	_ =	shalt  }
0x6b: {  	_ =	shalt  }
0x6c: {  	_ =	shalt  }
0x6d: {  	_ =	shalt  }
0x6e: {  	_ =	shalt  }
0x6f: {  	_ =	shalt  }
0x70: {  	_ =	shalt  }
0x71: {  	_ =	shalt  }
0x72: {  	_ =	shalt  }
0x73: {  	_ =	shalt  }
0x74: {  	_ =	shalt  }
0x75: {  	_ =	shalt  }
0x76: {  	_ =	shalt  }
0x77: {  	_ =	shalt  }
0x78: {  	_ =	shalt  }
0x79: {  	_ =	shalt  }
0x7a: {  	_ =	shalt  }
0x7b: {  	_ =	shalt  }
0x7c: {  	_ =	shalt  }
0x7d: {  	_ =	shalt  }
0x7e: {  	_ =	shalt  }
0x7f: {  	_ =	shalt  }
0x80: {  	_ =	shalt  }
0x81: {  	_ =	shalt  }
0x82: {  	_ =	shalt  }
0x83: {  	_ =	shalt  }
0x84: {  	_ =	shalt  }
0x85: {  	_ =	shalt  }
0x86: {  	_ =	shalt  }
0x87: {  	_ =	shalt  }
.Lfunc_end0:
.L_simem_size_0:
called_computation_lowered:
.L_overlay_start_0:
0x88: {  	s2 =	sld [smem:$0x3FD9]  }
0x89: {  	s3 =	sld [smem:$0x3FFE];
	_ =	sdelay $0x1  }
0x8a: {  	s1 =	srdreg.scid  }
0x8b: {  	s0 =	sand.u32 $0x1, s1  }
0x8c: {  	s18 =	sshll.u32 s0, $0xA;
	s2 =	sadd.s32 s3, s2  }
0x8d: {  	s2 =	sadd.s32 s2, s18  }
0x8e: {  	[smem:$0x3FC7] =	sst s2  }
0x8f: {  	_ = 	snop  }
0x90: {  	s2 =	sld [smem:$0x3FC9]  }
0x91: {  	s19 =	sld [smem:$0x3FD0];
	(tm) =	ssettm $0x1  }
0x92: {  	s4 =	sld [smem:$0x3FFB];
	_ =	sdelay $0x3  }
0x93: {  	_ =	strace s4  }
0x94: {  	s4 =	sld [smem:$0x3FFC];
	_ =	sdelay $0x3  }
0x95: {  	_ =	strace s4  }
0x96: {  	s4 =	sld [smem:$0x3FFD];
	_ =	sdelay $0x3  }
0x97: {  	_ =	strace s4  }
0x98: {  	_ =	strace $0x8FFFFFFF  }
0x99: {  	s20 =	sld [smem:$0x3FDB];
	_ =	sdelay $0x1  }
0x9a: {  	s5 =	simm.s32 $_scs_section_size  }
0x9b: {  	s6 =	simm.s32 $_size__tile_overlayer_lowered;
	s7 =	simm.s32 $_tile_overlayer_lowered  }
0x9c: {  	s23 =	simm.s32 $0x1BFF;
	s22 =	sshll.u32 s7, $0x1;
	s4 =	sadd.s32 s5, s20  }
0x9d: {  	s8 =	simm.s32 $0x0;
	s21 =	sshll.u32 s6, $0x1;
	s6 =	sadd.s32 s22, s4  }
0x9e: {  	[timem:s8], [sflag:s23] =	dma.local [hbm:s6], s21  }
0x9f: {  	_ =	swait.ge [sflag:s23], s21  }
0xa0: {  	s5 =	ssub.s32 $0x0, s21;
	[sflag:s23] =	ssyncset.done $0x0  }
0xa1: {  	[sflag:s23] =	ssyncadd.s32 s5;
	_ =	sdelay $0x1  }
0xa2: {  	s24 =	simm.s32 $0x1B8B  }
0xa3: {  	_ =	swait.ge [sflag:s24], $0x1  }
0xa4: {  	[sflag:s24] =	ssyncset.done $0x0  }
0xa5: {  	s25 =	simm.s32 $0x1B8E;
	[sflag:s24] =	ssyncadd.s32 $0xFFFFFFFF  }
0xa6: {  	s26 =	simm.s32 $execute0_lowered;
	[smem:$0x3FD2] =	sst s25  }
0xa7: {  	s5 =	sshll.u32 s26, $0x1;
	_ =	strace $0x80000046;
	[dreg:$0x1] =	wrdreg $0xFFFFFFFF  }
0xa8: {  	s28 =	simm.s32 $_size_execute0_lowered;
	s4 =	sadd.s32 s4, s5;
	[dreg:$0x0] =	wrdreg $0x0  }
0xa9: {  	s5 =	sshll.u32 s28, $0x1;
	[dreg:$0x2] =	wrdreg s4  }
0xaa: {  	[dreg:$0x3] =	wrdreg s5  }
0xab: {  	[dreg:$0x4] =	wrdreg $0xC0  }
0xac: {  	_ =	task [dreg:s8], $0x5FFFF  }
0xad: {  	[dreg:$0x1] =	wrdreg $0xFFFFFFFF  }
0xae: {  	[dreg:$0x0] =	wrdreg $0x60  }
0xaf: {  	[dreg:$0x2] =	wrdreg s2  }
0xb0: {  	[dreg:$0x3] =	wrdreg s19  }
0xb1: {  	[dreg:$0x4] =	wrdreg $0x9  }
0xb2: {  	_ =	task.clear_ibuf [dreg:s8], $0x5FFFF;
	_ =	strace $0x90000046  }
0xb3: {  	s29 =	simm.s32 $0x9;
	_ =	strace $0x80000048  }
0xb4: {  	_ =	swait.ge [sflag:s29], $0x1  }
0xb5: {  	[sflag:s29] =	ssyncadd.s32 $0xFFFFFFFF  }
0xb6: {  	_ =	strace $0x90000048  }
0xb7: {  	_ =	sfence  }
0xb8: {  	s30 =	sld [smem:$0x0];
	_ =	sdelay $0x2  }
0xb9: {  	s31 =	sshll.u32 s1, $0xD;
	s1 =	sshrl.u32 s1, $0x2  }
0xba: {  	s3 =	sand.u32 $0x4000, s31;
	s1 =	sadd.s32 s1, s30  }
0xbb: {  	s0 =	sor.u32 s3, s0;
	s1 =	sshll.u32 s1, $0x11  }
0xbc: {  	s0 =	sor.u32 s1, s0  }
0xbd: {  	s0 =	sadd.s32 $0x8F2B, s0  }
0xbe: {  	[sflag:s0] =	ssyncadd.remote.s32 $0x1  }
0xbf: {  	_ =	sfence.sel $0xFFFF  }
0xc0: {  	[dreg:$0x0] =	wrdreg $0xFFFFFFFF;
	(pc) =	sbr.abs _section_cstart, $3  }
0xc1: {  	[dreg:$0x1] =	wrdreg $0xFFFFFFFF  }
0xc2: {  	_ =	task.clear_ibuf [dreg:s8], $0x2FFFF;
	_ =	strace $0x9FFFFFFF  }
0xc3: {  	(tm) =	ssettm $0x7FFFFFFF  }
tec
execute0_lowered:
.L_overlay_start_1:
0x0: {  	(tag) =	ssettag $0x1  }
0x1: {  	s1 =	rddreg [dreg:$0x0]  }
0x2: {  	s2 =	rddreg [dreg:$0x1]  }
0x3: {  	s4 =	srdreg.scid;
	s0 =	rddreg [dreg:$0x2];
	s3 =	simm.s32 $0x0  }
0x4: {  	s8 =	simm.s32 $0x400;
	s9 =	simm.s32 $0x1;
	s5 =	sand.u32 $0x1, s4  }
0x5: {  	s10 =	simm.s32 $0x2000;
	[smem:$0x7FF] =	sst s3;
	s6 =	ssub.s32 $0x2, s5  }
0x6: {  	s4 =	stileid.u32;
	_ =	strace $0x80000047;
	s7 =	sshrl.u32 s6, $0x1  }
0x7: {  	s31 =	sshll.u32 s4, $0x8;
	s5 =	sshll.u32 s5, $0x7;
	s6 =	ssub.s32 s6, s7  }
0x8: {  	v0 =	vimm.s32 $0xF;
	v1 =	vimm.f32 $0.0e+00;
	s5 =	sor.u32 s5, s31;
	s7 =	simm.s32 $0x80;
	s6 =	smax.u32 s6, $0x1  }
.LBB2_1:
0x9: {  	s11 =	simm.s32 $0x0  }
.LBB2_2:
0xa: {  	s12 =	sadd.s32 s5, s11  }
0xb: {  	s13 =	sshll.u32 s11, $0x4;
	s12 =	sshll.u32 s12, $0xA  }
0xc: {  	s13 =	sand.u32 $0x70, s13;
	s12 =	sand.u32 $0x3FE000, s12  }
0xd: {  	s12 =	sor.u32 s13, s12  }
0xe: {  	s14 =	simm.s32 $0x0;
	s13 =	sadd.s32 s1, s12  }
0xf: {  	[tilespmem:s14], [sflag:$0x1] =	stream.strided.gather [hbm4b:s13+s7], $0x2000, s8, s7, $0x38;
	[tilespmem:$0x4000] =	vst v63  }
0x10: {  	_ =	swait.ge [sflag:s9], $0x2000  }
0x11: {  	[sflag:s9] =	ssyncset.done $0x0  }
0x12: {  	s31 =	simm.s32 $0x0;
	[sflag:s9] =	ssyncadd.s32 $0xFFFFE000  }
0x13: {  	v2 =	vimm.f32 $-Inf;
	s13 =	simm.s32 $0x40;
	v3 =	vld [tilespmem:s31+$0x0]  }
.LBB2_3:
0x14: {  	p0 =	sne.s32 s13, $0x7FC0  }
.Ltmp0:
0x15: {  	_ = 	snop;
	(pc) =	sbr.rel @p0 .LBB2_3-.Ltmp0, $3  }
0x16: {  	_ =	sdelay $0x1  }
0x17: {  	s14 =	sshra.s32 s13, $0x2;
	s13 =	sadd.s32 $0x40, s13;
	v2 =	vmax.f32 v2, v3  }
0x18: {  	v3 =	vld [tilespmem:s14+$0x0]  }
0x19: {  	_ =	sdelay $0x3  }
0x1a: {  	v2 =	vmax.f32 v2, v3  }
0x1b: {  	(xrf0) =	vmax.scan.msk.f32 $0xffff, v2;
	_ =	sdelay $0x4  }
0x1c: {  	s14 =	simm.s32 $0x0  }
0x1d: {  	v5 =	vld [tilespmem:s14+$0x0];
	v2, _, _ =	vpop (xrf0)  }
0x1e: {  	v2 =	vperm.xlane v2, v0;
	_ =	sdelay $0x1  }
0x1f: {  	s13 =	simm.s32 $0x40;
	v4 =	vimm.f32 $0.0e+00;
	v3 =	vadd.f32 $-1.000000000e+00, v2;
	v2 =	vimm.f32 $0.0e+00  }
.LBB2_5:
0x20: {  	p0 =	sne.s32 s13, $0x7FC0  }
.Ltmp1:
0x21: {  	s14 =	sshra.s32 s13, $0x2;
	s13 =	sadd.s32 $0x40, s13;
	vm0 =	vgt.f32 v5, v3;
	v6 =	vmov v5;
	(pc) =	sbr.rel @p0 .LBB2_5-.Ltmp1, $3  }
0x22: {  	v5 =	vld [tilespmem:s14+$0x0];
	v7 =	vsel vm0, $0x3F800000, v1  }
0x23: {  	v6 =	vmul.f32 v7, v6;
	v2 =	vadd.f32 v7, v2;
	_ =	sdelay $0x1  }
0x24: {  	v4 =	vadd.f32 v6, v4  }
0x25: {  	_ = 	snop  }
0x26: {  	vm0 =	vgt.f32 v5, v3  }
0x27: {  	v3 =	vsel vm0, $0x3F800000, v1  }
0x28: {  	v5 =	vmul.f32 v3, v5;
	_ =	sdelay $0x1  }
0x29: {  	v4 =	vadd.f32 v5, v4  }
0x2a: {  	v2 =	vadd.f32 v3, v2  }
0x2b: {  	(xrf2) =	vadd.scan.msk.f32 $0xffff, v4  }
0x2c: {  	(xrf2) =	vadd.scan.msk.f32 $0xffff, v2;
	_ =	sdelay $0x8  }
0x2d: {  	v2, _, _ =	vpop (xrf2)  }
0x2e: {  	v3, _, _ =	vpop (xrf2)  }
0x2f: {  	v3 =	vperm.xlane v3, v0;
	_ =	sdelay $0x1  }
0x30: {  	v3 =	vmax.f32 v3, $1.000000000e+00  }
0x31: {  	(erf) = vrcp.f32 v3;
	_ =	sdelay $0x5  }
0x32: {  	s14 =	simm.s32 $0x0;
	v2 =	vperm.xlane v2, v0  }
0x33: {  	v5 =	vld [tilespmem:s14+$0x0]  }
0x34: {  	v2 =	vadd.f32 $-1.000000000e+00, v2  }
0x35: {  	v3 =	vpop (erf)  }
0x36: {  	s13 =	simm.s32 $0x40;
	v4 =	vimm.f32 $0.0e+00;
	v3 =	vmul.f32 v3, v2;
	v2 =	vimm.f32 $0.0e+00  }
.LBB2_7:
0x37: {  	p0 =	sne.s32 s13, $0x7FC0  }
.Ltmp2:
0x38: {  	s14 =	sshra.s32 s13, $0x2;
	s13 =	sadd.s32 $0x40, s13;
	vm0 =	vgt.f32 v5, v3;
	v6 =	vmov v5;
	(pc) =	sbr.rel @p0 .LBB2_7-.Ltmp2, $3  }
0x39: {  	v5 =	vld [tilespmem:s14+$0x0];
	v7 =	vsel vm0, $0x3F800000, v1  }
0x3a: {  	v6 =	vmul.f32 v7, v6;
	v2 =	vadd.f32 v7, v2;
	_ =	sdelay $0x1  }
0x3b: {  	v4 =	vadd.f32 v6, v4  }
0x3c: {  	_ = 	snop  }
0x3d: {  	vm0 =	vgt.f32 v5, v3  }
0x3e: {  	v3 =	vsel vm0, $0x3F800000, v1  }
0x3f: {  	v5 =	vmul.f32 v3, v5;
	_ =	sdelay $0x1  }
0x40: {  	v4 =	vadd.f32 v5, v4  }
0x41: {  	v2 =	vadd.f32 v3, v2  }
0x42: {  	(xrf2) =	vadd.scan.msk.f32 $0xffff, v4  }
0x43: {  	(xrf2) =	vadd.scan.msk.f32 $0xffff, v2;
	_ =	sdelay $0x8  }
0x44: {  	v2, _, _ =	vpop (xrf2)  }
0x45: {  	v3, _, _ =	vpop (xrf2)  }
0x46: {  	v3 =	vperm.xlane v3, v0;
	_ =	sdelay $0x1  }
0x47: {  	v3 =	vmax.f32 v3, $1.000000000e+00  }
0x48: {  	(erf) = vrcp.f32 v3;
	_ =	sdelay $0x5  }
0x49: {  	s14 =	simm.s32 $0x0;
	v2 =	vperm.xlane v2, v0  }
0x4a: {  	v5 =	vld [tilespmem:s14+$0x0]  }
0x4b: {  	v2 =	vadd.f32 $-1.000000000e+00, v2  }
0x4c: {  	v3 =	vpop (erf)  }
0x4d: {  	s13 =	simm.s32 $0x40;
	v4 =	vimm.f32 $0.0e+00;
	v3 =	vmul.f32 v3, v2;
	v2 =	vimm.f32 $0.0e+00  }
.LBB2_9:
0x4e: {  	p0 =	sne.s32 s13, $0x7FC0  }
.Ltmp3:
0x4f: {  	s14 =	sshra.s32 s13, $0x2;
	s13 =	sadd.s32 $0x40, s13;
	vm0 =	vgt.f32 v5, v3;
	v6 =	vmov v5;
	(pc) =	sbr.rel @p0 .LBB2_9-.Ltmp3, $3  }
0x50: {  	v5 =	vld [tilespmem:s14+$0x0];
	v7 =	vsel vm0, $0x3F800000, v1  }
0x51: {  	v6 =	vmul.f32 v7, v6;
	v2 =	vadd.f32 v7, v2;
	_ =	sdelay $0x1  }
0x52: {  	v4 =	vadd.f32 v6, v4  }
0x53: {  	_ = 	snop  }
0x54: {  	vm0 =	vgt.f32 v5, v3  }
0x55: {  	v3 =	vsel vm0, $0x3F800000, v1  }
0x56: {  	v5 =	vmul.f32 v3, v5;
	_ =	sdelay $0x1  }
0x57: {  	v4 =	vadd.f32 v5, v4  }
0x58: {  	v2 =	vadd.f32 v3, v2  }
0x59: {  	(xrf2) =	vadd.scan.msk.f32 $0xffff, v4  }
0x5a: {  	(xrf2) =	vadd.scan.msk.f32 $0xffff, v2;
	_ =	sdelay $0x8  }
0x5b: {  	v2, _, _ =	vpop (xrf2)  }
0x5c: {  	v3, _, _ =	vpop (xrf2)  }
0x5d: {  	v3 =	vperm.xlane v3, v0;
	_ =	sdelay $0x1  }
0x5e: {  	v3 =	vmax.f32 v3, $1.000000000e+00  }
0x5f: {  	(erf) = vrcp.f32 v3;
	_ =	sdelay $0x5  }
0x60: {  	s14 =	simm.s32 $0x0;
	v2 =	vperm.xlane v2, v0  }
0x61: {  	v5 =	vld [tilespmem:s14+$0x0]  }
0x62: {  	v2 =	vadd.f32 $-1.000000000e+00, v2  }
0x63: {  	v3 =	vpop (erf)  }
0x64: {  	s13 =	simm.s32 $0x40;
	v4 =	vimm.f32 $0.0e+00;
	v2 =	vmul.f32 v3, v2;
	v3 =	vimm.f32 $0.0e+00  }
.LBB2_11:
0x65: {  	p0 =	sne.s32 s13, $0x7FC0  }
.Ltmp4:
0x66: {  	s14 =	sshra.s32 s13, $0x2;
	s13 =	sadd.s32 $0x40, s13;
	vm0 =	vgt.f32 v5, v2;
	v6 =	vmov v5;
	(pc) =	sbr.rel @p0 .LBB2_11-.Ltmp4, $3  }
0x67: {  	v5 =	vld [tilespmem:s14+$0x0];
	v7 =	vsel vm0, $0x3F800000, v1  }
0x68: {  	v6 =	vmul.f32 v7, v6;
	v3 =	vadd.f32 v7, v3;
	_ =	sdelay $0x1  }
0x69: {  	v4 =	vadd.f32 v6, v4  }
0x6a: {  	_ = 	snop  }
0x6b: {  	vm0 =	vgt.f32 v5, v2  }
0x6c: {  	v6 =	vsel vm0, $0x3F800000, v1  }
0x6d: {  	v5 =	vmul.f32 v6, v5;
	_ =	sdelay $0x1  }
0x6e: {  	v4 =	vadd.f32 v5, v4  }
0x6f: {  	v3 =	vadd.f32 v6, v3  }
0x70: {  	(xrf2) =	vadd.scan.msk.f32 $0xffff, v4  }
0x71: {  	(xrf2) =	vadd.scan.msk.f32 $0xffff, v3;
	_ =	sdelay $0x8  }
0x72: {  	v3, _, _ =	vpop (xrf2)  }
0x73: {  	v4, _, _ =	vpop (xrf2)  }
0x74: {  	v4 =	vperm.xlane v4, v0;
	_ =	sdelay $0x1  }
0x75: {  	v5 =	vmax.f32 v4, $1.000000000e+00  }
0x76: {  	(erf) = vrcp.f32 v5;
	_ =	sdelay $0x5  }
0x77: {  	v5 =	vperm.xlane v3, v0;
	_ =	sdelay $0x1  }
0x78: {  	v3 =	vadd.f32 $-1.000000000e+00, v5  }
0x79: {  	s14 =	simm.s32 $0x0;
	v6 =	vpop (erf)  }
0x7a: {  	s13 =	simm.s32 $0x40;
	v7 =	vld [tilespmem:s14+$0x0];
	v3 =	vmul.f32 v6, v3;
	v6 =	vimm.f32 $0.0e+00  }
.LBB2_13:
0x7b: {  	_ =	sdelay $0x1  }
0x7c: {  	p0 =	sne.s32 s13, $0x7FC0  }
.Ltmp5:
0x7d: {  	_ = 	snop;
	(pc) =	sbr.rel @p0 .LBB2_13-.Ltmp5, $3  }
0x7e: {  	v8 =	vsub.f32 v7, v3;
	_ =	sdelay $0x1  }
0x7f: {  	s14 =	sshra.s32 s13, $0x2;
	v8 =	vmax.f32 v8, $0.0e+00  }
0x80: {  	s13 =	sadd.s32 $0x40, s13;
	v7 =	vld [tilespmem:s14+$0x0];
	v6 =	vadd.f32 v8, v6  }
0x81: {  	_ =	sdelay $0x3  }
0x82: {  	v7 =	vsub.f32 v7, v3;
	_ =	sdelay $0x1  }
0x83: {  	v7 =	vmax.f32 v7, $0.0e+00  }
0x84: {  	v6 =	vadd.f32 v7, v6;
	_ =	sdelay $0x1  }
0x85: {  	(xrf2) =	vadd.scan.msk.f32 $0xffff, v6;
	_ =	sdelay $0x8  }
0x86: {  	v4 =	vmul.f32 v4, v2  }
0x87: {  	v6, _, _ =	vpop (xrf2)  }
0x88: {  	v4 =	vsub.f32 v5, v4;
	v5 =	vperm.xlane v6, v0;
	_ =	sdelay $0x1  }
0x89: {  	v6 =	vadd.f32 $-1.000000000e+00, v4;
	v4 =	vadd.f32 $-1.000000000e+00, v5;
	_ =	sdelay $0x1  }
0x8a: {  	v5 =	vsub.f32 v6, v4;
	_ =	sdelay $0x1  }
0x8b: {  	vm0 =	veq.f32 v5, $0.0e+00  }
0x8c: {  	v6 =	vsel vm0, $0x3F800000, v5  }
0x8d: {  	(erf) = vrcp.f32 v6;
	_ =	sdelay $0x5  }
0x8e: {  	v2 =	vsub.f32 v3, v2;
	_ =	sdelay $0x1  }
0x8f: {  	v2 =	vmul.f32 v4, v2  }
0x90: {  	v6 =	vpop (erf)  }
0x91: {  	v2 =	vmul.f32 v6, v2;
	_ =	sdelay $0x1  }
0x92: {  	vm15 =	vgt.f32 v5, $0.0e+00;
	v2 =	vmax.f32 v2, $0.0e+00  }
0x93: {  	s14 =	simm.s32 $0x0;
	v2 =	vnsel vm15, $0x0, v2  }
0x94: {  	s13 =	simm.s32 $0x40;
	v5 =	vimm.f32 $0.0e+00;
	v6 =	vld [tilespmem:s14+$0x0];
	v2 =	vadd.f32 v2, v3  }
.LBB2_15:
0x95: {  	_ =	sdelay $0x1  }
0x96: {  	p0 =	sne.s32 s13, $0x7FC0  }
.Ltmp6:
0x97: {  	_ = 	snop;
	(pc) =	sbr.rel @p0 .LBB2_15-.Ltmp6, $3  }
0x98: {  	v7 =	vsub.f32 v6, v2;
	_ =	sdelay $0x1  }
0x99: {  	s14 =	sshra.s32 s13, $0x2;
	v7 =	vmax.f32 v7, $0.0e+00  }
0x9a: {  	s13 =	sadd.s32 $0x40, s13;
	v6 =	vld [tilespmem:s14+$0x0];
	v5 =	vadd.f32 v7, v5  }
0x9b: {  	_ =	sdelay $0x3  }
0x9c: {  	v6 =	vsub.f32 v6, v2;
	_ =	sdelay $0x1  }
0x9d: {  	v6 =	vmax.f32 v6, $0.0e+00  }
0x9e: {  	v5 =	vadd.f32 v6, v5;
	_ =	sdelay $0x1  }
0x9f: {  	(xrf2) =	vadd.scan.msk.f32 $0xffff, v5;
	_ =	sdelay $0x9  }
0xa0: {  	v5, _, _ =	vpop (xrf2)  }
0xa1: {  	v5 =	vperm.xlane v5, v0;
	_ =	sdelay $0x1  }
0xa2: {  	v5 =	vadd.f32 $-1.000000000e+00, v5;
	_ =	sdelay $0x1  }
0xa3: {  	v4 =	vsub.f32 v4, v5;
	_ =	sdelay $0x1  }
0xa4: {  	vm0 =	veq.f32 v4, $0.0e+00  }
0xa5: {  	v63 =	vsel vm0, $0x3F800000, v4  }
0xa6: {  	(erf) = vrcp.f32 v63;
	_ =	sdelay $0x5  }
0xa7: {  	v3 =	vsub.f32 v2, v3;
	_ =	sdelay $0x1  }
0xa8: {  	v3 =	vmul.f32 v5, v3  }
0xa9: {  	v5 =	vpop (erf)  }
0xaa: {  	v3 =	vmul.f32 v5, v3;
	_ =	sdelay $0x1  }
0xab: {  	vm15 =	vgt.f32 v4, $0.0e+00;
	v3 =	vmax.f32 v3, $0.0e+00  }
0xac: {  	s13 =	simm.s32 $0x0;
	v3 =	vnsel vm15, $0x0, v3  }
0xad: {  	s14 =	simm.s32 $0x40;
	v2 =	vadd.f32 v3, v2;
	v3 =	vld [tilespmem:s13+$0x0]  }
.LBB2_17:
0xae: {  	_ =	sdelay $0x1  }
0xaf: {  	p0 =	sne.s32 s14, $0x7FC0  }
.Ltmp7:
0xb0: {  	_ = 	snop;
	(pc) =	sbr.rel @p0 .LBB2_17-.Ltmp7, $3  }
0xb1: {  	v4 =	vsub.f32 v3, v2;
	_ =	sdelay $0x1  }
0xb2: {  	s15 =	sshra.s32 s14, $0x2;
	v4 =	vmax.f32 v4, $0.0e+00  }
0xb3: {  	s14 =	sadd.s32 $0x40, s14;
	v3 =	vld [tilespmem:s15+$0x0];
	[tilespmem:s13+$0x2000] =	vst v4;
	s13 =	smov.u32 s15  }
0xb4: {  	_ =	sdelay $0x3  }
0xb5: {  	v2 =	vsub.f32 v3, v2  }
0xb6: {  	s11 =	sadd.s32 $0x1, s11  }
0xb7: {  	p0 =	sne.s32 s11, $0x80;
	v2 =	vmax.f32 v2, $0.0e+00  }
.Ltmp8:
0xb8: {  	s12 =	sadd.s32 s2, s12;
	[tilespmem:s13+$0x2000] =	vst v2;
	(pc) =	sbr.rel @p0 .LBB2_2-.Ltmp8, $4  }
0xb9: {  	[hbm4b:s12+s7] =	stream.strided.scatter [tilespmem:s10], [sflag:$0x1], $0x2000, s8, s7, $0x38;
	[tilespmem:$0x4000] =	vst v63  }
0xba: {  	_ =	swait.ge [sflag:s9], $0x2000  }
0xbb: {  	[sflag:s9] =	ssyncset.done $0x0  }
0xbc: {  	[sflag:s9] =	ssyncadd.s32 $0xFFFFE000  }
0xbd: {  	s3 =	sadd.s32 $0x1, s3  }
0xbe: {  	p0 =	sne.s32 s3, s6  }
.Ltmp9:
0xbf: {  	_ = 	snop;
	(pc) =	sbr.rel @p0 .LBB2_1-.Ltmp9, $1  }
0xc0: {  	_ =	sdelay $0x3  }
0xc1: {  	_ =	sfence.sel $0x180000  }
0xc2: {  	[bflag:$0x0] =	sbarrier.arrive $0xFFFF  }
0xc3: {  	p0 =	sne.s32 s4, $0x0;
	_ =	strace $0x90000047  }
0xc4: {  	s0 =	sadd.s32 @!p0 $0x100000, s0;
	[bflag:$0x2] =	sbarrier.arrive $0xFFFF  }
0xc5: {  	[sflag:s0] =	ssyncadd.tile.s32 @!p0 $0x1;
	_ =	shalt  }
.Lfunc_end2:
_tile_overlayer_lowered:
.L_overlay_start_2:
0xc6: {  	(tag) =	ssettag $0x2  }
0xc7: {  	s0 =	rddreg [dreg:$0x0];
	s2 =	stileid.u32  }
0xc8: {  	s1 =	rddreg [dreg:$0x1];
	p0 =	sne.s32 s2, $0x0  }
0xc9: {  	s3 =	rddreg [dreg:$0x2];
	[bflag:$0x3] =	sbarrier.arrive $0xFFFF;
	s2 =	simm.s32 @!p0 $0x1C01  }
0xca: {  	[timem:s3], [sflag:s2] =	dma.local @!p0 [hbm:s0], s1  }
0xcb: {  	s0 =	simm.s32 @!p0 $0x1  }
0xcc: {  	_ =	swait.ge @!p0 [sflag:s0], s1  }
0xcd: {  	s1 =	ssub.s32 @!p0 $0x0, s1;
	[sflag:s0] =	ssyncset.done @!p0 $0x0  }
0xce: {  	[sflag:s0] =	ssyncadd.s32 @!p0 s1  }
0xcf: {  	[bflag:$0x3] =	sbarrier.arrive $0xFFFF  }
0xd0: {  	_ =	shalt  }

</sc_bundles>
